<compile_context>
chip_gen: v7x
topology: tpu7x:2x2x1
jax: 0.10.2.dev20260603
libtpu: 0.0.44.dev20260713+nightly
codegen_flags: <defaults>
</compile_context>

<pallas_src>
import jax
import jax.numpy as jnp
from jax import lax
from jax.experimental import pallas as pl
from jax.experimental.pallas import tpu as pltpu
from jax.experimental.pallas import tpu_sc as plsc

NUM_EMBEDDINGS = 100000
DIM = 128
BATCH = 16384

NC = 2
NS = 16
L = 16
NW = NC * NS
B_PER_W = BATCH // NW
G_CHUNK = 128
N_G = B_PER_W // G_CHUNK
C_PER_ROW = DIM // L


def _rsqrt_nr(s):
    i = lax.bitcast_convert_type(s, jnp.int32)
    y = lax.bitcast_convert_type(jnp.int32(0x5F3759DF) - (i >> 1), jnp.float32)
    for _ in range(1):
        y = y * (1.5 - 0.5 * s * y * y)
    return y


def _sc_lookup_normalize(task_id, table):
    mesh = plsc.VectorSubcoreMesh(core_axis_name="c", subcore_axis_name="s")

    @pl.kernel(
        out_type=jax.ShapeDtypeStruct((BATCH, DIM), jnp.float32),
        mesh=mesh,
        scratch_types=[
            pltpu.VMEM((B_PER_W,), jnp.int32),
            pltpu.VMEM((B_PER_W, DIM), jnp.float32),
            pltpu.SemaphoreType.DMA,
            pltpu.SemaphoreType.DMA,
        ],
    )
    def k(idx_hbm, tab_hbm, out_hbm, idx_v, rows_v, gsem, wsem):
        wid = lax.axis_index("s") * NC + lax.axis_index("c")
        base = wid * B_PER_W

        def gather(j):
            return pltpu.make_async_copy(
                tab_hbm.at[idx_v.at[pl.ds(j * G_CHUNK, G_CHUNK)]],
                rows_v.at[pl.ds(j * G_CHUNK, G_CHUNK)],
                gsem,
            )

        def write(j):
            return pltpu.make_async_copy(
                rows_v.at[pl.ds(j * G_CHUNK, G_CHUNK)],
                out_hbm.at[pl.ds(base + j * G_CHUNK, G_CHUNK)],
                wsem,
            )

        pltpu.sync_copy(idx_hbm.at[pl.ds(base, G_CHUNK)], idx_v.at[pl.ds(0, G_CHUNK)])
        gather(0).start()
        pltpu.sync_copy(
            idx_hbm.at[pl.ds(base + G_CHUNK, B_PER_W - G_CHUNK)],
            idx_v.at[pl.ds(G_CHUNK, B_PER_W - G_CHUNK)],
        )

        def fire_body(j, _):
            gather(j).start()
            return _

        lax.fori_loop(1, N_G, fire_body, None)

        def chunk_body(j, _):
            gather(j).wait()

            @plsc.parallel_loop(j * G_CHUNK, (j + 1) * G_CHUNK, unroll=4)
            def _(r):
                xs = [rows_v[r, pl.ds(c * L, L)] for c in range(C_PER_ROW)]
                acc = xs[0] * xs[0]
                for c in range(1, C_PER_ROW):
                    acc = acc + xs[c] * xs[c]
                lane = lax.iota(jnp.int32, L)
                for sh in (8, 4, 2, 1):
                    acc = acc + acc[lane ^ sh]
                s = jnp.maximum(acc, 1e-24)
                y = _rsqrt_nr(s)
                for c in range(C_PER_ROW):
                    rows_v[r, pl.ds(c * L, L)] = xs[c] * y

            write(j).start()
            return _

        lax.fori_loop(0, N_G, chunk_body, None)

        pltpu.make_async_copy(
            rows_v, out_hbm.at[pl.ds(base, B_PER_W)], wsem
        ).wait()

    return k(task_id, table)


def kernel(task_id, embedding_weight):
    return _sc_lookup_normalize(task_id.astype(jnp.int32), embedding_weight)

# --- scband reference (transcript-rebuilt; emitter-appended) ---
"""Pipeline reference for scband-prompt-vector-provider-71150428226118 (READ-ONLY COPY).

The authoritative reference and input builder live on the scoring server;
editing this copy changes nothing except your own understanding.
"""

import jax, jax.numpy as jnp
import numpy as np

NUM_EMBEDDINGS = 100000
DIM = 128
BATCH = 16384

def setup_inputs(seed: int = 0) -> dict:
    key = jax.random.key(seed)
    k_idx, k_tab = jax.random.split(key)
    task_id = jax.random.randint(k_idx, (BATCH,), 0, NUM_EMBEDDINGS, dtype=jnp.int64) if jax.config.jax_enable_x64 else jax.random.randint(k_idx, (BATCH,), 0, NUM_EMBEDDINGS, dtype=jnp.int32)
    # nn.Embedding weight initialized normal(0, 1/sqrt(dim))
    embedding_weight = jax.random.normal(k_tab, (NUM_EMBEDDINGS, DIM), dtype=jnp.float32) * (1.0 / np.sqrt(DIM))
    return {"task_id": task_id, "embedding_weight": embedding_weight}

def reference(task_id, embedding_weight):
    # PromptVectorProvider.vector in 'learned_task_id' mode, batched:
    # vec = embedding(index); return F.normalize(vec, dim=-1)
    vecs = jnp.take(embedding_weight, task_id, axis=0)
    norm = jnp.sqrt(jnp.sum(vecs * vecs, axis=-1, keepdims=True))
    # F.normalize uses eps=1e-12 via clamp_min on the norm
    return vecs / jnp.maximum(norm, 1e-12)

if __name__ == "__main__":
    import jax
    _d = setup_inputs()
    print(jax.jit(kernel)(*tuple(_d.values())))

</pallas_src>

<mosaic_0001>
#map = affine_map<(d0, d1) -> (0)>
#map1 = affine_map<(d0, d1) -> (0, 0)>
module attributes {stable_mosaic.version = 14 : i64} {
  func.func @k(%arg0: i32, %arg1: i32, %arg2: memref<16384xi32, #tpu.memory_space<hbm>>, %arg3: memref<100000x128xf32, #tpu.memory_space<hbm>>, %arg4: memref<16384x128xf32, #tpu.memory_space<hbm>>, %arg5: memref<512xi32, #tpu.memory_space<vmem>>, %arg6: memref<512x128xf32, #tpu.memory_space<vmem>>, %arg7: memref<!tpu.dma_semaphore, #tpu.memory_space<semaphore_mem>>, %arg8: memref<!tpu.dma_semaphore, #tpu.memory_space<semaphore_mem>>) attributes {dimension_semantics = [#tpu.dimension_semantics<core_parallel>, #tpu.dimension_semantics<subcore_parallel>], iteration_bounds = array<i64: 2, 16>, scalar_prefetch = 0 : i64, scratch_operands = 4 : i64, tpu.core_type = #tpu.core_type<sc_vector_subcore>, window_params = [{transform_indices = #map}, {transform_indices = #map1}, {transform_indices = #map1}]} {
    %mul3A = arith.constant 2 : i32
    %mul3A_0 = arith.muli %arg1, %mul3A : i32
    %add3A = arith.addi %mul3A_0, %arg0 : i32
    %mul3A_1 = arith.constant 512 : i32
    %mul3A_2 = arith.muli %add3A, %mul3A_1 : i32
    "tpu.region"() ({
      %run_scoped3A = tpu.sem_alloc : memref<!tpu.dma_semaphore, #tpu.memory_space<semaphore_mem>>
      %dma_start3A_24 = arith.constant 0 : i32
      %dma_start3A_25 = tpu.memref_slice %arg5[%dma_start3A_24] : memref<512xi32, #tpu.memory_space<vmem>> -> memref<128xi32, #tpu.memory_space<vmem>>
      %dma_start3A_26 = tpu.memref_slice %arg2[%mul3A_2] : memref<16384xi32, #tpu.memory_space<hbm>> -> memref<128xi32, #tpu.memory_space<hbm>>
      %dma_start3A_27 = arith.constant 0 : i32
      %dma_start3A_28 = tpu.memref_slice %arg5[%dma_start3A_27] : memref<512xi32, #tpu.memory_space<vmem>> -> memref<128xi32, #tpu.memory_space<vmem>>
      %dma_start3A_29 = tpu.memref_slice %arg2[%mul3A_2] : memref<16384xi32, #tpu.memory_space<hbm>> -> memref<128xi32, #tpu.memory_space<hbm>>
      tpu.enqueue_dma source(%dma_start3A_29 : memref<128xi32, #tpu.memory_space<hbm>>) target(%dma_start3A_28 : memref<128xi32, #tpu.memory_space<vmem>>) target_semaphore(%run_scoped3A : memref<!tpu.dma_semaphore, #tpu.memory_space<semaphore_mem>>)
      %dma_wait3A_30 = arith.constant 0 : i32
      %dma_wait3A_31 = tpu.memref_slice %arg5[%dma_wait3A_30] : memref<512xi32, #tpu.memory_space<vmem>> -> memref<128xi32, #tpu.memory_space<vmem>>
      %dma_wait3A_32 = tpu.memref_slice %arg2[%mul3A_2] : memref<16384xi32, #tpu.memory_space<hbm>> -> memref<128xi32, #tpu.memory_space<hbm>>
      %dma_wait3A_33 = arith.constant 0 : i32
      %dma_wait3A_34 = tpu.memref_slice %arg5[%dma_wait3A_33] : memref<512xi32, #tpu.memory_space<vmem>> -> memref<128xi32, #tpu.memory_space<vmem>>
      %dma_wait3A_35 = tpu.memref_slice %arg2[%mul3A_2] : memref<16384xi32, #tpu.memory_space<hbm>> -> memref<128xi32, #tpu.memory_space<hbm>>
      tpu.wait_dma2 semaphore(%run_scoped3A : memref<!tpu.dma_semaphore, #tpu.memory_space<semaphore_mem>>) src(%dma_wait3A_35 : memref<128xi32, #tpu.memory_space<hbm>>) dst(%dma_wait3A_34 : memref<128xi32, #tpu.memory_space<vmem>>)
      tpu.yield
    }) : () -> ()
    %dma_start3A = arith.constant 0 : i32
    %dma_start3A_3 = arith.constant 0 : i32
    %dma_start3A_4 = tpu.memref_slice %arg6[%dma_start3A, %dma_start3A_3] : memref<512x128xf32, #tpu.memory_space<vmem>> -> memref<128x128xf32, #tpu.memory_space<vmem>>
    %dma_start3A_5 = arith.constant 0 : i32
    %dma_start3A_6 = tpu.memref_slice %arg5[%dma_start3A_5] : memref<512xi32, #tpu.memory_space<vmem>> -> memref<128xi32, #tpu.memory_space<vmem>>
    %dma_start3A_7 = arith.constant 0 : i32
    %dma_start3A_8 = arith.constant 0 : i32
    %dma_start3A_9 = tpu.memref_slice %arg3[%dma_start3A_7, %dma_start3A_8] : memref<100000x128xf32, #tpu.memory_space<hbm>> -> memref<100000x128xf32, #tpu.memory_space<hbm>>
    tpu.enqueue_indirect_dma source(%dma_start3A_9 : memref<100000x128xf32, #tpu.memory_space<hbm>>) target(%dma_start3A_4 : memref<128x128xf32, #tpu.memory_space<vmem>>) offsets(%dma_start3A_6 : memref<128xi32, #tpu.memory_space<vmem>>) semaphore(%arg7 : memref<!tpu.dma_semaphore, #tpu.memory_space<semaphore_mem>>)
    %add3A_10 = arith.constant 128 : i32
    %add3A_11 = arith.addi %mul3A_2, %add3A_10 : i32
    "tpu.region"() ({
      %run_scoped3A = tpu.sem_alloc : memref<!tpu.dma_semaphore, #tpu.memory_space<semaphore_mem>>
      %dma_start3A_24 = arith.constant 128 : i32
      %dma_start3A_25 = tpu.memref_slice %arg5[%dma_start3A_24] : memref<512xi32, #tpu.memory_space<vmem>> -> memref<384xi32, #tpu.memory_space<vmem>>
      %dma_start3A_26 = tpu.memref_slice %arg2[%add3A_11] : memref<16384xi32, #tpu.memory_space<hbm>> -> memref<384xi32, #tpu.memory_space<hbm>>
      %dma_start3A_27 = arith.constant 128 : i32
      %dma_start3A_28 = tpu.memref_slice %arg5[%dma_start3A_27] : memref<512xi32, #tpu.memory_space<vmem>> -> memref<384xi32, #tpu.memory_space<vmem>>
      %dma_start3A_29 = tpu.memref_slice %arg2[%add3A_11] : memref<16384xi32, #tpu.memory_space<hbm>> -> memref<384xi32, #tpu.memory_space<hbm>>
      tpu.enqueue_dma source(%dma_start3A_29 : memref<384xi32, #tpu.memory_space<hbm>>) target(%dma_start3A_28 : memref<384xi32, #tpu.memory_space<vmem>>) target_semaphore(%run_scoped3A : memref<!tpu.dma_semaphore, #tpu.memory_space<semaphore_mem>>)
      %dma_wait3A_30 = arith.constant 128 : i32
      %dma_wait3A_31 = tpu.memref_slice %arg5[%dma_wait3A_30] : memref<512xi32, #tpu.memory_space<vmem>> -> memref<384xi32, #tpu.memory_space<vmem>>
      %dma_wait3A_32 = tpu.memref_slice %arg2[%add3A_11] : memref<16384xi32, #tpu.memory_space<hbm>> -> memref<384xi32, #tpu.memory_space<hbm>>
      %dma_wait3A_33 = arith.constant 128 : i32
      %dma_wait3A_34 = tpu.memref_slice %arg5[%dma_wait3A_33] : memref<512xi32, #tpu.memory_space<vmem>> -> memref<384xi32, #tpu.memory_space<vmem>>
      %dma_wait3A_35 = tpu.memref_slice %arg2[%add3A_11] : memref<16384xi32, #tpu.memory_space<hbm>> -> memref<384xi32, #tpu.memory_space<hbm>>
      tpu.wait_dma2 semaphore(%run_scoped3A : memref<!tpu.dma_semaphore, #tpu.memory_space<semaphore_mem>>) src(%dma_wait3A_35 : memref<384xi32, #tpu.memory_space<hbm>>) dst(%dma_wait3A_34 : memref<384xi32, #tpu.memory_space<vmem>>)
      tpu.yield
    }) : () -> ()
    %scan3A = arith.constant 1 : i32
    %scan3A_12 = arith.constant 3 : i32
    %scan3A_13 = arith.addi %scan3A, %scan3A_12 : i32
    %scan3A_14 = arith.constant 1 : i32
    scf.for %scan3A_24 = %scan3A to %scan3A_13 step %scan3A_14  : i32 {
      %mul3A_25 = arith.constant 128 : i32
      %mul3A_26 = arith.muli %scan3A_24, %mul3A_25 : i32
      %mul3A_27 = arith.constant 128 : i32
      %mul3A_28 = arith.muli %scan3A_24, %mul3A_27 : i32
      %dma_start3A_29 = arith.constant 0 : i32
      %dma_start3A_30 = tpu.memref_slice %arg6[%mul3A_28, %dma_start3A_29] : memref<512x128xf32, #tpu.memory_space<vmem>> -> memref<128x128xf32, #tpu.memory_space<vmem>>
      %dma_start3A_31 = tpu.memref_slice %arg5[%mul3A_26] : memref<512xi32, #tpu.memory_space<vmem>> -> memref<128xi32, #tpu.memory_space<vmem>>
      %dma_start3A_32 = arith.constant 0 : i32
      %dma_start3A_33 = arith.constant 0 : i32
      %dma_start3A_34 = tpu.memref_slice %arg3[%dma_start3A_32, %dma_start3A_33] : memref<100000x128xf32, #tpu.memory_space<hbm>> -> memref<100000x128xf32, #tpu.memory_space<hbm>>
      tpu.enqueue_indirect_dma source(%dma_start3A_34 : memref<100000x128xf32, #tpu.memory_space<hbm>>) target(%dma_start3A_30 : memref<128x128xf32, #tpu.memory_space<vmem>>) offsets(%dma_start3A_31 : memref<128xi32, #tpu.memory_space<vmem>>) semaphore(%arg7 : memref<!tpu.dma_semaphore, #tpu.memory_space<semaphore_mem>>)
    }
    %scan3A_15 = arith.constant 3 : i32
    %scan3A_16 = arith.constant 0 : i32
    %scan3A_17 = arith.constant 4 : i32
    %scan3A_18 = arith.addi %scan3A_16, %scan3A_17 : i32
    %scan3A_19 = arith.constant 1 : i32
    scf.for %scan3A_24 = %scan3A_16 to %scan3A_18 step %scan3A_19  : i32 {
      %mul3A_25 = arith.constant 128 : i32
      %mul3A_26 = arith.muli %scan3A_24, %mul3A_25 : i32
      %mul3A_27 = arith.constant 128 : i32
      %mul3A_28 = arith.muli %scan3A_24, %mul3A_27 : i32
      %dma_wait3A_29 = arith.constant 0 : i32
      %dma_wait3A_30 = tpu.memref_slice %arg6[%mul3A_28, %dma_wait3A_29] : memref<512x128xf32, #tpu.memory_space<vmem>> -> memref<128x128xf32, #tpu.memory_space<vmem>>
      %dma_wait3A_31 = tpu.memref_slice %arg5[%mul3A_26] : memref<512xi32, #tpu.memory_space<vmem>> -> memref<128xi32, #tpu.memory_space<vmem>>
      %dma_wait3A_32 = arith.constant 0 : i32
      %dma_wait3A_33 = arith.constant 0 : i32
      %dma_wait3A_34 = tpu.memref_slice %arg3[%dma_wait3A_32, %dma_wait3A_33] : memref<100000x128xf32, #tpu.memory_space<hbm>> -> memref<100000x128xf32, #tpu.memory_space<hbm>>
      tpu.wait_indirect_dma semaphore(%arg7 : memref<!tpu.dma_semaphore, #tpu.memory_space<semaphore_mem>>) src(%dma_wait3A_34 : memref<100000x128xf32, #tpu.memory_space<hbm>>) dst(%dma_wait3A_30 : memref<128x128xf32, #tpu.memory_space<vmem>>)
      %mul3A_35 = arith.constant 128 : i32
      %mul3A_36 = arith.muli %scan3A_24, %mul3A_35 : i32
      %add3A_37 = arith.constant 1 : i32
      %add3A_38 = arith.addi %scan3A_24, %add3A_37 : i32
      %mul3A_39 = arith.constant 128 : i32
      %mul3A_40 = arith.muli %add3A_38, %mul3A_39 : i32
      %parallel_loop3A = arith.constant 1 : i32
      scf.for %parallel_loop3A_54 = %mul3A_36 to %mul3A_40 step %parallel_loop3A  : i32 {
        %parallel_loop3A_55 = arith.index_cast %parallel_loop3A_54 : i32 to index
        %parallel_loop3A_56 = arith.constant 0 : index
        %parallel_loop3A_57 = tpu.vector_load %arg6[%parallel_loop3A_55, %parallel_loop3A_56] {strides = array<i32>} : memref<512x128xf32, #tpu.memory_space<vmem>>, vector<1x16xf32>,
        %parallel_loop3A_58 = vector.shape_cast %parallel_loop3A_57 : vector<1x16xf32> to vector<16xf32>
        %parallel_loop3A_59 = arith.index_cast %parallel_loop3A_54 : i32 to index
        %parallel_loop3A_60 = arith.constant 16 : index
        %parallel_loop3A_61 = tpu.vector_load %arg6[%parallel_loop3A_59, %parallel_loop3A_60] {strides = array<i32>} : memref<512x128xf32, #tpu.memory_space<vmem>>, vector<1x16xf32>,
        %parallel_loop3A_62 = vector.shape_cast %parallel_loop3A_61 : vector<1x16xf32> to vector<16xf32>
        %parallel_loop3A_63 = arith.index_cast %parallel_loop3A_54 : i32 to index
        %parallel_loop3A_64 = arith.constant 32 : index
        %parallel_loop3A_65 = tpu.vector_load %arg6[%parallel_loop3A_63, %parallel_loop3A_64] {strides = array<i32>} : memref<512x128xf32, #tpu.memory_space<vmem>>, vector<1x16xf32>,
        %parallel_loop3A_66 = vector.shape_cast %parallel_loop3A_65 : vector<1x16xf32> to vector<16xf32>
        %parallel_loop3A_67 = arith.index_cast %parallel_loop3A_54 : i32 to index
        %parallel_loop3A_68 = arith.constant 48 : index
        %parallel_loop3A_69 = tpu.vector_load %arg6[%parallel_loop3A_67, %parallel_loop3A_68] {strides = array<i32>} : memref<512x128xf32, #tpu.memory_space<vmem>>, vector<1x16xf32>,
        %parallel_loop3A_70 = vector.shape_cast %parallel_loop3A_69 : vector<1x16xf32> to vector<16xf32>
        %parallel_loop3A_71 = arith.index_cast %parallel_loop3A_54 : i32 to index
        %parallel_loop3A_72 = arith.constant 64 : index
        %parallel_loop3A_73 = tpu.vector_load %arg6[%parallel_loop3A_71, %parallel_loop3A_72] {strides = array<i32>} : memref<512x128xf32, #tpu.memory_space<vmem>>, vector<1x16xf32>,
        %parallel_loop3A_74 = vector.shape_cast %parallel_loop3A_73 : vector<1x16xf32> to vector<16xf32>
        %parallel_loop3A_75 = arith.index_cast %parallel_loop3A_54 : i32 to index
        %parallel_loop3A_76 = arith.constant 80 : index
        %parallel_loop3A_77 = tpu.vector_load %arg6[%parallel_loop3A_75, %parallel_loop3A_76] {strides = array<i32>} : memref<512x128xf32, #tpu.memory_space<vmem>>, vector<1x16xf32>,
        %parallel_loop3A_78 = vector.shape_cast %parallel_loop3A_77 : vector<1x16xf32> to vector<16xf32>
        %parallel_loop3A_79 = arith.index_cast %parallel_loop3A_54 : i32 to index
        %parallel_loop3A_80 = arith.constant 96 : index
        %parallel_loop3A_81 = tpu.vector_load %arg6[%parallel_loop3A_79, %parallel_loop3A_80] {strides = array<i32>} : memref<512x128xf32, #tpu.memory_space<vmem>>, vector<1x16xf32>,
        %parallel_loop3A_82 = vector.shape_cast %parallel_loop3A_81 : vector<1x16xf32> to vector<16xf32>
        %parallel_loop3A_83 = arith.index_cast %parallel_loop3A_54 : i32 to index
        %parallel_loop3A_84 = arith.constant 112 : index
        %parallel_loop3A_85 = tpu.vector_load %arg6[%parallel_loop3A_83, %parallel_loop3A_84] {strides = array<i32>} : memref<512x128xf32, #tpu.memory_space<vmem>>, vector<1x16xf32>,
        %parallel_loop3A_86 = vector.shape_cast %parallel_loop3A_85 : vector<1x16xf32> to vector<16xf32>
        %parallel_loop3A_87 = arith.mulf %parallel_loop3A_58, %parallel_loop3A_58 : vector<16xf32>
        %parallel_loop3A_88 = arith.mulf %parallel_loop3A_62, %parallel_loop3A_62 : vector<16xf32>
        %parallel_loop3A_89 = arith.addf %parallel_loop3A_87, %parallel_loop3A_88 : vector<16xf32>
        %parallel_loop3A_90 = arith.mulf %parallel_loop3A_66, %parallel_loop3A_66 : vector<16xf32>
        %parallel_loop3A_91 = arith.addf %parallel_loop3A_89, %parallel_loop3A_90 : vector<16xf32>
        %parallel_loop3A_92 = arith.mulf %parallel_loop3A_70, %parallel_loop3A_70 : vector<16xf32>
        %parallel_loop3A_93 = arith.addf %parallel_loop3A_91, %parallel_loop3A_92 : vector<16xf32>
        %parallel_loop3A_94 = arith.mulf %parallel_loop3A_74, %parallel_loop3A_74 : vector<16xf32>
        %parallel_loop3A_95 = arith.addf %parallel_loop3A_93, %parallel_loop3A_94 : vector<16xf32>
        %parallel_loop3A_96 = arith.mulf %parallel_loop3A_78, %parallel_loop3A_78 : vector<16xf32>
        %parallel_loop3A_97 = arith.addf %parallel_loop3A_95, %parallel_loop3A_96 : vector<16xf32>
        %parallel_loop3A_98 = arith.mulf %parallel_loop3A_82, %parallel_loop3A_82 : vector<16xf32>
        %parallel_loop3A_99 = arith.addf %parallel_loop3A_97, %parallel_loop3A_98 : vector<16xf32>
        %parallel_loop3A_100 = arith.mulf %parallel_loop3A_86, %parallel_loop3A_86 : vector<16xf32>
        %parallel_loop3A_101 = arith.addf %parallel_loop3A_99, %parallel_loop3A_100 : vector<16xf32>
        %parallel_loop3A_102 = tpu.iota {dimensions = array<i32: 0>} : vector<16xi32>
        %parallel_loop3A_103 = arith.constant 8 : i32
        %parallel_loop3A_104 = vector.broadcast %parallel_loop3A_103 : i32 to vector<16xi32>
        %parallel_loop3A_105 = arith.xori %parallel_loop3A_102, %parallel_loop3A_104 : vector<16xi32>
        %parallel_loop3A_106 = arith.constant 0 : i32
        %parallel_loop3A_107 = vector.broadcast %parallel_loop3A_106 : i32 to vector<16xi32>
        %parallel_loop3A_108 = arith.cmpi slt, %parallel_loop3A_105, %parallel_loop3A_107 : vector<16xi32>
        %parallel_loop3A_109 = arith.constant 16 : i32
        %parallel_loop3A_110 = vector.broadcast %parallel_loop3A_109 : i32 to vector<16xi32>
        %parallel_loop3A_111 = arith.addi %parallel_loop3A_105, %parallel_loop3A_110 : vector<16xi32>
        %parallel_loop3A_112 = arith.select %parallel_loop3A_108, %parallel_loop3A_111, %parallel_loop3A_105 : vector<16xi1>, vector<16xi32>
        %parallel_loop3A_113 = vector.shape_cast %parallel_loop3A_112 : vector<16xi32> to vector<16x1xi32>
        %parallel_loop3A_114 = vector.shape_cast %parallel_loop3A_113 : vector<16x1xi32> to vector<16xi32>
        %parallel_loop3A_115 = tpu.dynamic_gather %parallel_loop3A_101[%parallel_loop3A_114] in [0] : vector<16xf32>, vector<16xi32> -> vector<16xf32>
        %parallel_loop3A_116 = arith.addf %parallel_loop3A_101, %parallel_loop3A_115 : vector<16xf32>
        %parallel_loop3A_117 = arith.constant 4 : i32
        %parallel_loop3A_118 = vector.broadcast %parallel_loop3A_117 : i32 to vector<16xi32>
        %parallel_loop3A_119 = arith.xori %parallel_loop3A_102, %parallel_loop3A_118 : vector<16xi32>
        %parallel_loop3A_120 = arith.constant 0 : i32
        %parallel_loop3A_121 = vector.broadcast %parallel_loop3A_120 : i32 to vector<16xi32>
        %parallel_loop3A_122 = arith.cmpi slt, %parallel_loop3A_119, %parallel_loop3A_121 : vector<16xi32>
        %parallel_loop3A_123 = arith.constant 16 : i32
        %parallel_loop3A_124 = vector.broadcast %parallel_loop3A_123 : i32 to vector<16xi32>
        %parallel_loop3A_125 = arith.addi %parallel_loop3A_119, %parallel_loop3A_124 : vector<16xi32>
        %parallel_loop3A_126 = arith.select %parallel_loop3A_122, %parallel_loop3A_125, %parallel_loop3A_119 : vector<16xi1>, vector<16xi32>
        %parallel_loop3A_127 = vector.shape_cast %parallel_loop3A_126 : vector<16xi32> to vector<16x1xi32>
        %parallel_loop3A_128 = vector.shape_cast %parallel_loop3A_127 : vector<16x1xi32> to vector<16xi32>
        %parallel_loop3A_129 = tpu.dynamic_gather %parallel_loop3A_116[%parallel_loop3A_128] in [0] : vector<16xf32>, vector<16xi32> -> vector<16xf32>
        %parallel_loop3A_130 = arith.addf %parallel_loop3A_116, %parallel_loop3A_129 : vector<16xf32>
        %parallel_loop3A_131 = arith.constant 2 : i32
        %parallel_loop3A_132 = vector.broadcast %parallel_loop3A_131 : i32 to vector<16xi32>
        %parallel_loop3A_133 = arith.xori %parallel_loop3A_102, %parallel_loop3A_132 : vector<16xi32>
        %parallel_loop3A_134 = arith.constant 0 : i32
        %parallel_loop3A_135 = vector.broadcast %parallel_loop3A_134 : i32 to vector<16xi32>
        %parallel_loop3A_136 = arith.cmpi slt, %parallel_loop3A_133, %parallel_loop3A_135 : vector<16xi32>
        %parallel_loop3A_137 = arith.constant 16 : i32
        %parallel_loop3A_138 = vector.broadcast %parallel_loop3A_137 : i32 to vector<16xi32>
        %parallel_loop3A_139 = arith.addi %parallel_loop3A_133, %parallel_loop3A_138 : vector<16xi32>
        %parallel_loop3A_140 = arith.select %parallel_loop3A_136, %parallel_loop3A_139, %parallel_loop3A_133 : vector<16xi1>, vector<16xi32>
        %parallel_loop3A_141 = vector.shape_cast %parallel_loop3A_140 : vector<16xi32> to vector<16x1xi32>
        %parallel_loop3A_142 = vector.shape_cast %parallel_loop3A_141 : vector<16x1xi32> to vector<16xi32>
        %parallel_loop3A_143 = tpu.dynamic_gather %parallel_loop3A_130[%parallel_loop3A_142] in [0] : vector<16xf32>, vector<16xi32> -> vector<16xf32>
        %parallel_loop3A_144 = arith.addf %parallel_loop3A_130, %parallel_loop3A_143 : vector<16xf32>
        %parallel_loop3A_145 = arith.constant 1 : i32
        %parallel_loop3A_146 = vector.broadcast %parallel_loop3A_145 : i32 to vector<16xi32>
        %parallel_loop3A_147 = arith.xori %parallel_loop3A_102, %parallel_loop3A_146 : vector<16xi32>
        %parallel_loop3A_148 = arith.constant 0 : i32
        %parallel_loop3A_149 = vector.broadcast %parallel_loop3A_148 : i32 to vector<16xi32>
        %parallel_loop3A_150 = arith.cmpi slt, %parallel_loop3A_147, %parallel_loop3A_149 : vector<16xi32>
        %parallel_loop3A_151 = arith.constant 16 : i32
        %parallel_loop3A_152 = vector.broadcast %parallel_loop3A_151 : i32 to vector<16xi32>
        %parallel_loop3A_153 = arith.addi %parallel_loop3A_147, %parallel_loop3A_152 : vector<16xi32>
        %parallel_loop3A_154 = arith.select %parallel_loop3A_150, %parallel_loop3A_153, %parallel_loop3A_147 : vector<16xi1>, vector<16xi32>
        %parallel_loop3A_155 = vector.shape_cast %parallel_loop3A_154 : vector<16xi32> to vector<16x1xi32>
        %parallel_loop3A_156 = vector.shape_cast %parallel_loop3A_155 : vector<16x1xi32> to vector<16xi32>
        %parallel_loop3A_157 = tpu.dynamic_gather %parallel_loop3A_144[%parallel_loop3A_156] in [0] : vector<16xf32>, vector<16xi32> -> vector<16xf32>
        %parallel_loop3A_158 = arith.addf %parallel_loop3A_144, %parallel_loop3A_157 : vector<16xf32>
        %parallel_loop3A_159 = arith.constant 1.000000e-24 : f32
        %parallel_loop3A_160 = vector.broadcast %parallel_loop3A_159 : f32 to vector<16xf32>
        %parallel_loop3A_161 = arith.maximumf %parallel_loop3A_158, %parallel_loop3A_160 : vector<16xf32>
        %parallel_loop3A_162 = tpu.bitcast %parallel_loop3A_161 : vector<16xf32> -> vector<16xi32>
        %parallel_loop3A_163 = arith.constant 1 : i32
        %parallel_loop3A_164 = vector.broadcast %parallel_loop3A_163 : i32 to vector<16xi32>
        %parallel_loop3A_165 = arith.shrsi %parallel_loop3A_162, %parallel_loop3A_164 : vector<16xi32>
        %parallel_loop3A_166 = arith.constant 1597463007 : i32
        %parallel_loop3A_167 = vector.broadcast %parallel_loop3A_166 : i32 to vector<16xi32>
        %parallel_loop3A_168 = arith.subi %parallel_loop3A_167, %parallel_loop3A_165 : vector<16xi32>
        %parallel_loop3A_169 = tpu.bitcast %parallel_loop3A_168 : vector<16xi32> -> vector<16xf32>
        %parallel_loop3A_170 = arith.constant 5.000000e-01 : f32
        %parallel_loop3A_171 = vector.broadcast %parallel_loop3A_170 : f32 to vector<16xf32>
        %parallel_loop3A_172 = arith.mulf %parallel_loop3A_171, %parallel_loop3A_161 : vector<16xf32>
        %parallel_loop3A_173 = arith.mulf %parallel_loop3A_172, %parallel_loop3A_169 : vector<16xf32>
        %parallel_loop3A_174 = arith.mulf %parallel_loop3A_173, %parallel_loop3A_169 : vector<16xf32>
        %parallel_loop3A_175 = arith.constant 1.500000e+00 : f32
        %parallel_loop3A_176 = vector.broadcast %parallel_loop3A_175 : f32 to vector<16xf32>
        %parallel_loop3A_177 = arith.subf %parallel_loop3A_176, %parallel_loop3A_174 : vector<16xf32>
        %parallel_loop3A_178 = arith.mulf %parallel_loop3A_169, %parallel_loop3A_177 : vector<16xf32>
        %parallel_loop3A_179 = arith.mulf %parallel_loop3A_58, %parallel_loop3A_178 : vector<16xf32>
        %parallel_loop3A_180 = arith.index_cast %parallel_loop3A_54 : i32 to index
        %parallel_loop3A_181 = arith.constant 0 : index
        %parallel_loop3A_182 = tpu.vector_load %arg6[%parallel_loop3A_180, %parallel_loop3A_181] {strides = array<i32>} : memref<512x128xf32, #tpu.memory_space<vmem>>, vector<1x16xf32>,
        %parallel_loop3A_183 = vector.shape_cast %parallel_loop3A_182 : vector<1x16xf32> to vector<16xf32>
        %parallel_loop3A_184 = vector.shape_cast %parallel_loop3A_179 : vector<16xf32> to vector<1x16xf32>
        tpu.vector_store %arg6[%parallel_loop3A_180, %parallel_loop3A_181], %parallel_loop3A_184 {strides = array<i32>} : memref<512x128xf32, #tpu.memory_space<vmem>>, vector<1x16xf32>,
        %parallel_loop3A_185 = arith.mulf %parallel_loop3A_62, %parallel_loop3A_178 : vector<16xf32>
        %parallel_loop3A_186 = arith.index_cast %parallel_loop3A_54 : i32 to index
        %parallel_loop3A_187 = arith.constant 16 : index
        %parallel_loop3A_188 = tpu.vector_load %arg6[%parallel_loop3A_186, %parallel_loop3A_187] {strides = array<i32>} : memref<512x128xf32, #tpu.memory_space<vmem>>, vector<1x16xf32>,
        %parallel_loop3A_189 = vector.shape_cast %parallel_loop3A_188 : vector<1x16xf32> to vector<16xf32>
        %parallel_loop3A_190 = vector.shape_cast %parallel_loop3A_185 : vector<16xf32> to vector<1x16xf32>
        tpu.vector_store %arg6[%parallel_loop3A_186, %parallel_loop3A_187], %parallel_loop3A_190 {strides = array<i32>} : memref<512x128xf32, #tpu.memory_space<vmem>>, vector<1x16xf32>,
        %parallel_loop3A_191 = arith.mulf %parallel_loop3A_66, %parallel_loop3A_178 : vector<16xf32>
        %parallel_loop3A_192 = arith.index_cast %parallel_loop3A_54 : i32 to index
        %parallel_loop3A_193 = arith.constant 32 : index
        %parallel_loop3A_194 = tpu.vector_load %arg6[%parallel_loop3A_192, %parallel_loop3A_193] {strides = array<i32>} : memref<512x128xf32, #tpu.memory_space<vmem>>, vector<1x16xf32>,
        %parallel_loop3A_195 = vector.shape_cast %parallel_loop3A_194 : vector<1x16xf32> to vector<16xf32>
        %parallel_loop3A_196 = vector.shape_cast %parallel_loop3A_191 : vector<16xf32> to vector<1x16xf32>
        tpu.vector_store %arg6[%parallel_loop3A_192, %parallel_loop3A_193], %parallel_loop3A_196 {strides = array<i32>} : memref<512x128xf32, #tpu.memory_space<vmem>>, vector<1x16xf32>,
        %parallel_loop3A_197 = arith.mulf %parallel_loop3A_70, %parallel_loop3A_178 : vector<16xf32>
        %parallel_loop3A_198 = arith.index_cast %parallel_loop3A_54 : i32 to index
        %parallel_loop3A_199 = arith.constant 48 : index
        %parallel_loop3A_200 = tpu.vector_load %arg6[%parallel_loop3A_198, %parallel_loop3A_199] {strides = array<i32>} : memref<512x128xf32, #tpu.memory_space<vmem>>, vector<1x16xf32>,
        %parallel_loop3A_201 = vector.shape_cast %parallel_loop3A_200 : vector<1x16xf32> to vector<16xf32>
        %parallel_loop3A_202 = vector.shape_cast %parallel_loop3A_197 : vector<16xf32> to vector<1x16xf32>
        tpu.vector_store %arg6[%parallel_loop3A_198, %parallel_loop3A_199], %parallel_loop3A_202 {strides = array<i32>} : memref<512x128xf32, #tpu.memory_space<vmem>>, vector<1x16xf32>,
        %parallel_loop3A_203 = arith.mulf %parallel_loop3A_74, %parallel_loop3A_178 : vector<16xf32>
        %parallel_loop3A_204 = arith.index_cast %parallel_loop3A_54 : i32 to index
        %parallel_loop3A_205 = arith.constant 64 : index
        %parallel_loop3A_206 = tpu.vector_load %arg6[%parallel_loop3A_204, %parallel_loop3A_205] {strides = array<i32>} : memref<512x128xf32, #tpu.memory_space<vmem>>, vector<1x16xf32>,
        %parallel_loop3A_207 = vector.shape_cast %parallel_loop3A_206 : vector<1x16xf32> to vector<16xf32>
        %parallel_loop3A_208 = vector.shape_cast %parallel_loop3A_203 : vector<16xf32> to vector<1x16xf32>
        tpu.vector_store %arg6[%parallel_loop3A_204, %parallel_loop3A_205], %parallel_loop3A_208 {strides = array<i32>} : memref<512x128xf32, #tpu.memory_space<vmem>>, vector<1x16xf32>,
        %parallel_loop3A_209 = arith.mulf %parallel_loop3A_78, %parallel_loop3A_178 : vector<16xf32>
        %parallel_loop3A_210 = arith.index_cast %parallel_loop3A_54 : i32 to index
        %parallel_loop3A_211 = arith.constant 80 : index
        %parallel_loop3A_212 = tpu.vector_load %arg6[%parallel_loop3A_210, %parallel_loop3A_211] {strides = array<i32>} : memref<512x128xf32, #tpu.memory_space<vmem>>, vector<1x16xf32>,
        %parallel_loop3A_213 = vector.shape_cast %parallel_loop3A_212 : vector<1x16xf32> to vector<16xf32>
        %parallel_loop3A_214 = vector.shape_cast %parallel_loop3A_209 : vector<16xf32> to vector<1x16xf32>
        tpu.vector_store %arg6[%parallel_loop3A_210, %parallel_loop3A_211], %parallel_loop3A_214 {strides = array<i32>} : memref<512x128xf32, #tpu.memory_space<vmem>>, vector<1x16xf32>,
        %parallel_loop3A_215 = arith.mulf %parallel_loop3A_82, %parallel_loop3A_178 : vector<16xf32>
        %parallel_loop3A_216 = arith.index_cast %parallel_loop3A_54 : i32 to index
        %parallel_loop3A_217 = arith.constant 96 : index
        %parallel_loop3A_218 = tpu.vector_load %arg6[%parallel_loop3A_216, %parallel_loop3A_217] {strides = array<i32>} : memref<512x128xf32, #tpu.memory_space<vmem>>, vector<1x16xf32>,
        %parallel_loop3A_219 = vector.shape_cast %parallel_loop3A_218 : vector<1x16xf32> to vector<16xf32>
        %parallel_loop3A_220 = vector.shape_cast %parallel_loop3A_215 : vector<16xf32> to vector<1x16xf32>
        tpu.vector_store %arg6[%parallel_loop3A_216, %parallel_loop3A_217], %parallel_loop3A_220 {strides = array<i32>} : memref<512x128xf32, #tpu.memory_space<vmem>>, vector<1x16xf32>,
        %parallel_loop3A_221 = arith.mulf %parallel_loop3A_86, %parallel_loop3A_178 : vector<16xf32>
        %parallel_loop3A_222 = arith.index_cast %parallel_loop3A_54 : i32 to index
        %parallel_loop3A_223 = arith.constant 112 : index
        %parallel_loop3A_224 = tpu.vector_load %arg6[%parallel_loop3A_222, %parallel_loop3A_223] {strides = array<i32>} : memref<512x128xf32, #tpu.memory_space<vmem>>, vector<1x16xf32>,
        %parallel_loop3A_225 = vector.shape_cast %parallel_loop3A_224 : vector<1x16xf32> to vector<16xf32>
        %parallel_loop3A_226 = vector.shape_cast %parallel_loop3A_221 : vector<16xf32> to vector<1x16xf32>
        tpu.vector_store %arg6[%parallel_loop3A_222, %parallel_loop3A_223], %parallel_loop3A_226 {strides = array<i32>} : memref<512x128xf32, #tpu.memory_space<vmem>>, vector<1x16xf32>,
      } {sc.loop_unroll_factor = 4 : i64, sc.parallel_access}
      %mul3A_41 = arith.constant 128 : i32
      %mul3A_42 = arith.muli %scan3A_24, %mul3A_41 : i32
      %mul3A_43 = arith.constant 128 : i32
      %mul3A_44 = arith.muli %scan3A_24, %mul3A_43 : i32
      %add3A_45 = arith.addi %mul3A_2, %mul3A_44 : i32
      %dma_start3A_46 = arith.constant 0 : i32
      %dma_start3A_47 = tpu.memref_slice %arg6[%mul3A_42, %dma_start3A_46] : memref<512x128xf32, #tpu.memory_space<vmem>> -> memref<128x128xf32, #tpu.memory_space<vmem>>
      %dma_start3A_48 = arith.constant 0 : i32
      %dma_start3A_49 = tpu.memref_slice %arg4[%add3A_45, %dma_start3A_48] : memref<16384x128xf32, #tpu.memory_space<hbm>> -> memref<128x128xf32, #tpu.memory_space<hbm>>
      %dma_start3A_50 = arith.constant 0 : i32
      %dma_start3A_51 = tpu.memref_slice %arg4[%add3A_45, %dma_start3A_50] : memref<16384x128xf32, #tpu.memory_space<hbm>> -> memref<128x128xf32, #tpu.memory_space<hbm>>
      %dma_start3A_52 = arith.constant 0 : i32
      %dma_start3A_53 = tpu.memref_slice %arg6[%mul3A_42, %dma_start3A_52] : memref<512x128xf32, #tpu.memory_space<vmem>> -> memref<128x128xf32, #tpu.memory_space<vmem>>
      tpu.enqueue_dma source(%dma_start3A_53 : memref<128x128xf32, #tpu.memory_space<vmem>>) target(%dma_start3A_51 : memref<128x128xf32, #tpu.memory_space<hbm>>) target_semaphore(%arg8 : memref<!tpu.dma_semaphore, #tpu.memory_space<semaphore_mem>>)
    }
    %scan3A_20 = arith.constant 4 : i32
    %dma_wait3A = arith.constant 0 : i32
    %dma_wait3A_21 = tpu.memref_slice %arg4[%mul3A_2, %dma_wait3A] : memref<16384x128xf32, #tpu.memory_space<hbm>> -> memref<512x128xf32, #tpu.memory_space<hbm>>
    %dma_wait3A_22 = arith.constant 0 : i32
    %dma_wait3A_23 = tpu.memref_slice %arg4[%mul3A_2, %dma_wait3A_22] : memref<16384x128xf32, #tpu.memory_space<hbm>> -> memref<512x128xf32, #tpu.memory_space<hbm>>
    tpu.wait_dma2 semaphore(%arg8 : memref<!tpu.dma_semaphore, #tpu.memory_space<semaphore_mem>>) src(%arg6 : memref<512x128xf32, #tpu.memory_space<vmem>>) dst(%dma_wait3A_23 : memref<512x128xf32, #tpu.memory_space<hbm>>)
    return
  }
}

</mosaic_0001>

<sc_bundles>
// kernel: kernel.3.cloned.1.call-start
scs
__scs_entry_jumppad:
0x0: {  	(pc) =	sbr.rel $0x88, $3  }
0x1: {  	(tag) =	ssettag $0x0;
	lr =	simm.s32 $0x1  }
0x2: {  	[smem:$0x3F9F] =	sst lr;
	_ =	strace $0xD0000000  }
0x3: {  	_ = 	snop  }
0x4: {  	_ = 	snop  }
0x5: {  	_ = 	snop  }
0x6: {  	_ = 	snop  }
0x7: {  	_ = 	snop  }
__scs_overlays_trampoline_lowered:
0x8: {  	[smem:$0x3FAE] =	sst s0  }
0x9: {  	[smem:$0x3FAF] =	sst s1  }
0xa: {  	[smem:$0x3FB0] =	sst s2  }
0xb: {  	[smem:$0x3FB1] =	sst s3  }
0xc: {  	[smem:$0x3FB2] =	sst s4  }
0xd: {  	[smem:$0x3FB3] =	sst s5  }
0xe: {  	[smem:$0x3FB4] =	sst s6  }
0xf: {  	[smem:$0x3FB5] =	sst s7  }
0x10: {  	[smem:$0x3FB6] =	sst s8  }
0x11: {  	[smem:$0x3FB7] =	sst s9;
	s0 =	simm.s32 @!p0 $0x0  }
0x12: {  	s1 =	sld [smem:$0x3F9D];
	s0 =	simm.s32 @p0 $0x1  }
0x13: {  	[smem:$0x3FB8] =	sst s0;
	s0 =	simm.s32 @!p1 $0x0  }
0x14: {  	s2 =	sld [smem:$0x3F9C];
	s0 =	simm.s32 @p1 $0x1  }
0x15: {  	[smem:$0x3FB9] =	sst s0;
	s0 =	simm.s32 @!p2 $0x0  }
0x16: {  	s3 =	sld [smem:$0x3FDB];
	s0 =	simm.s32 @p2 $0x1  }
0x17: {  	s4 =	simm.s32 $0x1BF5;
	[smem:$0x3FBB] =	sst s0  }
0x18: {  	s0 =	sld [smem:$0x3F9E];
	_ =	swait.ge [sflag:s4], $0x0  }
0x19: {  	s7 =	sld [smem:$0x3F9F]  }
0x1a: {  	s8 =	sadd.s32 $0xFFFFE003, lr  }
0x1b: {  	s9 =	sadd.s32 $0xFFFFFEF7, lr;
	s5 =	simm.s32 $0xFFFFFFFF;
	p2 =	slt.u32 s8, $0xFFFFF086  }
0x1c: {  	p1 =	slt.u32 s9, $0xF7A;
	s5 =	simm.s32 @!p2 $0x0  }
0x1d: {  	s5 =	simm.s32 @p1 $0x1;
	p0 =	seq.s32 s7, s2  }
0x1e: {  	s7 =	smul.u32 @!p0 $0xF7A, s2;
	p2 =	seq.s32 @!p0 s5, $0x0  }
0x1f: {  	s9 =	smul.u32 $0xF7A, s1;
	s8 =	simm.s32 @!p0 $0x1BF5;
	p2 =	por !p2, p0  }
0x20: {  	[sflag:s8] =	ssyncset.s32 @!p0 $0xFFFFF086;
	s6 =	sadd.s32 @!p0 s3, s7;
	s7 =	simm.s32 @!p0 $0x108  }
0x21: {  	s3 =	sadd.s32 s3, s9;
	s6 =	sadd.s32 @!p0 $0x88, s6;
	s7 =	simm.s32 @p2 $0x1082  }
0x22: {  	[simem:s7], [sflag:s8] =	dma.local @!p0 [hbm:s6], $0xF7A  }
0x23: {  	s9 =	sor.u32 $0xD0000000, s2;
	s6 =	simm.s32 $0x108;
	_ =	swait.ge @!p0 [sflag:s8], $0x0  }
0x24: {  	s3 =	sadd.s32 $0x88, s3;
	s6 =	simm.s32 @!p1 $0x1082;
	[sflag:s4] =	ssyncset.s32 $0xFFFFF086  }
0x25: {  	[simem:s6], [sflag:s4] =	dma.local [hbm:s3], $0xF7A  }
0x26: {  	[smem:$0x3F9F] =	sst s1;
	(tag) =	ssettag s2;
	_ =	strace s9  }
0x27: {  	s1 =	sld [smem:$0x3FAF]  }
0x28: {  	s2 =	sld [smem:$0x3FB0]  }
0x29: {  	s4 =	sld [smem:$0x3FB2]  }
0x2a: {  	p0 =	seq.s32 s5, $0x0;
	s5 =	sld [smem:$0x3FB3]  }
0x2b: {  	s6 =	sld [smem:$0x3FB4]  }
0x2c: {  	s7 =	sld [smem:$0x3FB5]  }
0x2d: {  	s3 =	simm.s32 $0x108;
	s8 =	sld [smem:$0x3FB6]  }
0x2e: {  	s3 =	simm.s32 @!p0 $0x1082;
	s9 =	sld [smem:$0x3FB7]  }
0x2f: {  	lr =	sadd.s32 s0, s3;
	s0 =	sld [smem:$0x3FAE]  }
0x30: {  	s3 =	sld [smem:$0x3FB1]  }
0x31: {  	[smem:$0x3FBA] =	sst s10  }
0x32: {  	s10 =	sld [smem:$0x3FB8];
	_ =	sdelay $0x3  }
0x33: {  	p0 =	seq.s32 s10, $0x1;
	s10 =	sld [smem:$0x3FBA];
	_ =	sdelay $0x3  }
0x34: {  	[smem:$0x3FBA] =	sst s10  }
0x35: {  	s10 =	sld [smem:$0x3FB9];
	_ =	sdelay $0x3  }
0x36: {  	p1 =	seq.s32 s10, $0x1;
	s10 =	sld [smem:$0x3FBA];
	_ =	sdelay $0x3  }
0x37: {  	[smem:$0x3FBA] =	sst s10  }
0x38: {  	s10 =	sld [smem:$0x3FBB]  }
0x39: {  	_ = 	snop;
	(pc) =	sbr.ind lr, $3  }
0x3a: {  	_ = 	snop  }
0x3b: {  	_ = 	snop  }
0x3c: {  	p2 =	seq.s32 s10, $0x1;
	s10 =	sld [smem:$0x3FBA]  }
0x3d: {  	_ =	shalt  }
0x3e: {  	_ =	shalt  }
0x3f: {  	_ =	shalt  }
0x40: {  	_ =	shalt  }
0x41: {  	_ =	shalt  }
0x42: {  	_ =	shalt  }
0x43: {  	_ =	shalt  }
0x44: {  	_ =	shalt  }
0x45: {  	_ =	shalt  }
0x46: {  	_ =	shalt  }
0x47: {  	_ =	shalt  }
0x48: {  	_ =	shalt  }
0x49: {  	_ =	shalt  }
0x4a: {  	_ =	shalt  }
0x4b: {  	_ =	shalt  }
0x4c: {  	_ =	shalt  }
0x4d: {  	_ =	shalt  }
0x4e: {  	_ =	shalt  }
0x4f: {  	_ =	shalt  }
0x50: {  	_ =	shalt  }
0x51: {  	_ =	shalt  }
0x52: {  	_ =	shalt  }
0x53: {  	_ =	shalt  }
0x54: {  	_ =	shalt  }
0x55: {  	_ =	shalt  }
0x56: {  	_ =	shalt  }
0x57: {  	_ =	shalt  }
0x58: {  	_ =	shalt  }
0x59: {  	_ =	shalt  }
0x5a: {  	_ =	shalt  }
0x5b: {  	_ =	shalt  }
0x5c: {  	_ =	shalt  }
0x5d: {  	_ =	shalt  }
0x5e: {  	_ =	shalt  }
0x5f: {  	_ =	shalt  }
0x60: {  	_ =	shalt  }
0x61: {  	_ =	shalt  }
0x62: {  	_ =	shalt  }
0x63: {  	_ =	shalt  }
0x64: {  	_ =	shalt  }
0x65: {  	_ =	shalt  }
0x66: {  	_ =	shalt  }
0x67: {  	_ =	shalt  }
0x68: {  	_ =	shalt  }
0x69: {  	_ =	shalt  }
0x6a: {  	_ =	shalt  }
0x6b: {  	_ =	shalt  }
0x6c: {  	_ =	shalt  }
0x6d: {  	_ =	shalt  }
0x6e: {  	_ =	shalt  }
0x6f: {  	_ =	shalt  }
0x70: {  	_ =	shalt  }
0x71: {  	_ =	shalt  }
0x72: {  	_ =	shalt  }
0x73: {  	_ =	shalt  }
0x74: {  	_ =	shalt  }
0x75: {  	_ =	shalt  }
0x76: {  	_ =	shalt  }
0x77: {  	_ =	shalt  }
0x78: {  	_ =	shalt  }
0x79: {  	_ =	shalt  }
0x7a: {  	_ =	shalt  }
0x7b: {  	_ =	shalt  }
0x7c: {  	_ =	shalt  }
0x7d: {  	_ =	shalt  }
0x7e: {  	_ =	shalt  }
0x7f: {  	_ =	shalt  }
0x80: {  	_ =	shalt  }
0x81: {  	_ =	shalt  }
0x82: {  	_ =	shalt  }
0x83: {  	_ =	shalt  }
0x84: {  	_ =	shalt  }
0x85: {  	_ =	shalt  }
0x86: {  	_ =	shalt  }
0x87: {  	_ =	shalt  }
.Lfunc_end0:
.L_simem_size_0:
called_computation_lowered:
.L_overlay_start_0:
0x88: {  	s2 =	sld [smem:$0x3FD9]  }
0x89: {  	s3 =	sld [smem:$0x3FFE];
	_ =	sdelay $0x1  }
0x8a: {  	s1 =	srdreg.scid  }
0x8b: {  	s0 =	sand.u32 $0x1, s1  }
0x8c: {  	s18 =	sshll.u32 s0, $0xA;
	s2 =	sadd.s32 s3, s2  }
0x8d: {  	s2 =	sadd.s32 s2, s18  }
0x8e: {  	[smem:$0x3FC6] =	sst s2  }
0x8f: {  	_ = 	snop  }
0x90: {  	s2 =	sld [smem:$0x3FC9]  }
0x91: {  	s19 =	sld [smem:$0x3FC8]  }
0x92: {  	s4 =	sld [smem:$0x3FD0];
	(tm) =	ssettm $0x1  }
0x93: {  	s5 =	sld [smem:$0x3FFB];
	_ =	sdelay $0x3  }
0x94: {  	_ =	strace s5  }
0x95: {  	s5 =	sld [smem:$0x3FFC];
	_ =	sdelay $0x3  }
0x96: {  	_ =	strace s5  }
0x97: {  	s5 =	sld [smem:$0x3FFD];
	_ =	sdelay $0x3  }
0x98: {  	_ =	strace s5  }
0x99: {  	_ =	strace $0x8FFFFFFF  }
0x9a: {  	s20 =	sld [smem:$0x3FDB];
	_ =	sdelay $0x1  }
0x9b: {  	s6 =	simm.s32 $_scs_section_size  }
0x9c: {  	s7 =	simm.s32 $_size__tile_overlayer_lowered;
	s8 =	simm.s32 $_tile_overlayer_lowered  }
0x9d: {  	s23 =	simm.s32 $0x1BFF;
	s22 =	sshll.u32 s8, $0x1;
	s5 =	sadd.s32 s6, s20  }
0x9e: {  	s9 =	simm.s32 $0x0;
	s21 =	sshll.u32 s7, $0x1;
	s7 =	sadd.s32 s22, s5  }
0x9f: {  	[timem:s9], [sflag:s23] =	dma.local [hbm:s7], s21  }
0xa0: {  	_ =	swait.ge [sflag:s23], s21  }
0xa1: {  	s6 =	ssub.s32 $0x0, s21;
	[sflag:s23] =	ssyncset.done $0x0  }
0xa2: {  	[sflag:s23] =	ssyncadd.s32 s6;
	_ =	sdelay $0x1  }
0xa3: {  	s24 =	simm.s32 $0x1B8B  }
0xa4: {  	_ =	swait.ge [sflag:s24], $0x1  }
0xa5: {  	[sflag:s24] =	ssyncset.done $0x0  }
0xa6: {  	s25 =	simm.s32 $0x1B8E;
	[sflag:s24] =	ssyncadd.s32 $0xFFFFFFFF  }
0xa7: {  	s26 =	simm.s32 $execute0_lowered;
	[smem:$0x3FD2] =	sst s25  }
0xa8: {  	s6 =	sshll.u32 s26, $0x1;
	_ =	strace $0x80000046;
	[dreg:$0x1] =	wrdreg $0xFFFFFFFF  }
0xa9: {  	s28 =	simm.s32 $_size_execute0_lowered;
	s5 =	sadd.s32 s5, s6;
	[dreg:$0x0] =	wrdreg $0x0  }
0xaa: {  	s6 =	sshll.u32 s28, $0x1;
	[dreg:$0x2] =	wrdreg s5  }
0xab: {  	[dreg:$0x3] =	wrdreg s6  }
0xac: {  	[dreg:$0x4] =	wrdreg $0xC0  }
0xad: {  	_ =	task [dreg:s9], $0x5FFFF  }
0xae: {  	[dreg:$0x1] =	wrdreg $0xFFFFFFFF  }
0xaf: {  	[dreg:$0x0] =	wrdreg $0x60  }
0xb0: {  	[dreg:$0x2] =	wrdreg s2  }
0xb1: {  	[dreg:$0x3] =	wrdreg s19  }
0xb2: {  	[dreg:$0x4] =	wrdreg s4  }
0xb3: {  	[dreg:$0x5] =	wrdreg $0x9  }
0xb4: {  	_ =	task.clear_ibuf [dreg:s9], $0x6FFFF;
	_ =	strace $0x90000046  }
0xb5: {  	s29 =	simm.s32 $0x9;
	_ =	strace $0x80000048  }
0xb6: {  	_ =	swait.ge [sflag:s29], $0x1  }
0xb7: {  	[sflag:s29] =	ssyncadd.s32 $0xFFFFFFFF  }
0xb8: {  	_ =	strace $0x90000048  }
0xb9: {  	_ =	sfence  }
0xba: {  	s30 =	sld [smem:$0x0];
	_ =	sdelay $0x2  }
0xbb: {  	s31 =	sshll.u32 s1, $0xD;
	s1 =	sshrl.u32 s1, $0x2  }
0xbc: {  	s3 =	sand.u32 $0x4000, s31;
	s1 =	sadd.s32 s1, s30  }
0xbd: {  	s0 =	sor.u32 s3, s0;
	s1 =	sshll.u32 s1, $0x11  }
0xbe: {  	s0 =	sor.u32 s1, s0  }
0xbf: {  	s0 =	sadd.s32 $0x8F2B, s0  }
0xc0: {  	[sflag:s0] =	ssyncadd.remote.s32 $0x1  }
0xc1: {  	_ =	sfence.sel $0xFFFF  }
0xc2: {  	[dreg:$0x0] =	wrdreg $0xFFFFFFFF;
	(pc) =	sbr.abs _section_cstart, $3  }
0xc3: {  	[dreg:$0x1] =	wrdreg $0xFFFFFFFF  }
0xc4: {  	_ =	task.clear_ibuf [dreg:s9], $0x2FFFF;
	_ =	strace $0x9FFFFFFF  }
0xc5: {  	(tm) =	ssettm $0x7FFFFFFF  }
tec
execute0_lowered:
.L_overlay_start_1:
0x0: {  	(tag) =	ssettag $0x1  }
0x1: {  	v0 =	vimm.s32 $0xFEDCBA98;
	v1 =	vimm.s32 $0x76543210  }
0x2: {  	s6 =	rddreg [dreg:$0x0];
	s2 =	srdreg.scid;
	v2 =	vimm.s32 $0xBA98FEDC;
	v3 =	vimm.s32 $0x32107654;
	v4 =	vimm.s32 $0xDCFE98BA  }
0x3: {  	s1 =	rddreg [dreg:$0x1];
	s0 =	stileid.u32;
	v5 =	vimm.s32 $0x54761032;
	v6 =	vimm.s32 $0xEFCDAB89;
	v7 =	vimm.s32 $0x67452301  }
0x4: {  	s3 =	rddreg [dreg:$0x2];
	s10 =	simm.s32 $0x80;
	s11 =	simm.s32 $0x200;
	v0 =	vunpack.c.l.s4.s8 v0;
	v1 =	vunpack.c.l.s4.s8 v1;
	v2 =	vunpack.c.l.s4.s8 v2  }
0x5: {  	s12 =	simm.s32 $0x4200;
	s13 =	simm.s32 $0x100;
	s14 =	simm.s32 $0x8200;
	v3 =	vunpack.c.l.s4.s8 v3;
	v4 =	vunpack.c.l.s4.s8 v4;
	v5 =	vunpack.c.l.s4.s8 v5  }
0x6: {  	s15 =	simm.s32 $0x180;
	s16 =	simm.s32 $0xC200;
	s17 =	simm.s32 $0x1;
	v6 =	vunpack.c.l.s4.s8 v6;
	v7 =	vunpack.c.l.s4.s8 v7;
	v0 =	vunpack.c.0.s8.s32 v0  }
0x7: {  	s18 =	simm.s32 $0x2;
	s19 =	simm.s32 $0x0;
	s7 =	sand.u32 $0x1, s2;
	v2 =	vunpack.c.0.s8.s32 v2;
	v3 =	vunpack.c.0.s8.s32 v3;
	v4 =	vunpack.c.0.s8.s32 v4  }
0x8: {  	s4 =	sshll.u32 s0, $0xA;
	s2 =	rddreg [dreg:$0x3];
	s5 =	sshll.u32 s7, $0x9;
	v5 =	vunpack.c.0.s8.s32 v5;
	v6 =	vunpack.c.0.s8.s32 v6;
	v7 =	vunpack.c.0.s8.s32 v7  }
0x9: {  	s7 =	ssub.s32 $0x2, s7;
	s4 =	sor.u32 s5, s4;
	s5 =	simm.s32 $0x0;
	v1 =	vunpack.c.0.s8.s32 v1;
	v2 =	vcombine.low v3, v2  }
0xa: {  	s9 =	sshrl.u32 s7, $0x1;
	s8 =	sshrl.u32 s4, $0x3;
	[smem:$0x7FF] =	sst s5;
	v3 =	vcombine.low v5, v4;
	v4 =	vcombine.low v7, v6;
	v0 =	vand.u32 $0xF, v0  }
0xb: {  	s31 =	ssub.s32 s7, s9;
	s9 =	simm.s32 $0x3;
	s6 =	sadd.s32 s6, s8;
	v0 =	vcombine.low v0, v1  }
0xc: {  	_ =	strace $0x80000047;
	s8 =	smax.u32 s31, $0x1;
	s7 =	sadd.s32 $0x10, s6;
	v1 =	vand.u32 $0xF, v2;
	v2 =	vand.u32 $0xF, v3;
	v3 =	vand.u32 $0xF, v4  }
.LBB2_1:
0xd: {  	[tilespmem:s5], [sflag:$0x3] =	stream.linear.gather [hbm4b:s6+s5], $0x80, $0x38;
	[tilespmem:$0x10200] =	vst v63  }
0xe: {  	_ =	swait.ge [sflag:s9], $0x80  }
0xf: {  	[sflag:s9] =	ssyncset.done $0x0  }
0x10: {  	[sflag:s9] =	ssyncadd.s32 $0xFFFFFF80  }
0x11: {  	[tilespmem:s11], [sflag:$0x1] =	stream.indirect.gather [hbm4b:s1+s10], $0x80, s5, s10, $0xb8;
	[tilespmem:$0x10200] =	vst v63  }
0x12: {  	_ = 	snop  }
0x13: {  	[tilespmem:s10], [sflag:$0x3] =	stream.linear.gather [hbm4b:s7+s5], $0x180, $0x38;
	[tilespmem:$0x10200] =	vst v63  }
0x14: {  	_ =	swait.ge [sflag:s9], $0x180  }
0x15: {  	[sflag:s9] =	ssyncset.done $0x0  }
0x16: {  	[sflag:s9] =	ssyncadd.s32 $0xFFFFFE80  }
0x17: {  	[tilespmem:s12], [sflag:$0x1] =	stream.indirect.gather [hbm4b:s1+s10], $0x80, s10, s10, $0xb8;
	[tilespmem:$0x10200] =	vst v63  }
0x18: {  	_ = 	snop  }
0x19: {  	[tilespmem:s14], [sflag:$0x1] =	stream.indirect.gather [hbm4b:s1+s10], $0x80, s13, s10, $0xb8;
	[tilespmem:$0x10200] =	vst v63  }
0x1a: {  	s20 =	simm.s32 $0x300;
	s21 =	simm.s32 $0x0  }
0x1b: {  	[tilespmem:s16], [sflag:$0x1] =	stream.indirect.gather [hbm4b:s1+s10], $0x80, s15, s10, $0xb8;
	[tilespmem:$0x10200] =	vst v63  }
.LBB2_2:
0x1c: {  	_ =	swait.ge [sflag:s17], $0x4000  }
0x1d: {  	[sflag:s17] =	ssyncset.done $0x0  }
0x1e: {  	[sflag:s17] =	ssyncadd.s32 $0xFFFFC000  }
0x1f: {  	v33 =	vld [tilespmem:s20+$0x80]  }
0x20: {  	v34 =	vld [tilespmem:s20+$0x90]  }
0x21: {  	v11 =	vld [tilespmem:s20+$0xFFFFFF10]  }
0x22: {  	v32 =	vld [tilespmem:s20+$0xA0]  }
0x23: {  	v8 =	vld [tilespmem:s20+$0xFFFFFF80]  }
0x24: {  	v28 =	vld [tilespmem:s20+$0xB0]  }
0x25: {  	v9 =	vld [tilespmem:s20+$0xFFFFFF90]  }
0x26: {  	v29 =	vld [tilespmem:s20+$0xC0];
	v5 =	vmul.f32 v33, v33;
	v6 =	vmul.f32 v34, v34  }
0x27: {  	v4 =	vld [tilespmem:s20+$0x0]  }
0x28: {  	v30 =	vld [tilespmem:s20+$0xD0];
	v7 =	vmul.f32 v32, v32;
	v6 =	vadd.f32 v6, v5  }
0x29: {  	v31 =	vld [tilespmem:s20+$0xE0]  }
0x2a: {  	v35 =	vld [tilespmem:s20+$0xF0];
	v6 =	vadd.f32 v7, v6;
	v7 =	vmul.f32 v28, v28  }
0x2b: {  	v26 =	vld [tilespmem:s20+$0xFFFFFF00]  }
0x2c: {  	v27 =	vld [tilespmem:s20+$0xFFFFFF20];
	v6 =	vadd.f32 v7, v6;
	v7 =	vmul.f32 v29, v29  }
0x2d: {  	v16 =	vld [tilespmem:s20+$0xFFFFFFA0]  }
0x2e: {  	v14 =	vld [tilespmem:s20+$0xFFFFFF30];
	v10 =	vmul.f32 v30, v30;
	v7 =	vadd.f32 v7, v6  }
0x2f: {  	v17 =	vld [tilespmem:s20+$0xFFFFFFB0];
	v12 =	vmul.f32 v35, v35;
	v13 =	vmul.f32 v11, v11  }
0x30: {  	v21 =	vmul.f32 v26, v26;
	v5 =	vld [tilespmem:s20+$0x10];
	v7 =	vadd.f32 v10, v7;
	v10 =	vmul.f32 v31, v31  }
0x31: {  	v18 =	vld [tilespmem:s20+$0xFFFFFF40];
	v15 =	vmul.f32 v8, v8;
	v20 =	vmul.f32 v9, v9  }
0x32: {  	v13 =	vadd.f32 v13, v21;
	v21 =	vmul.f32 v27, v27;
	v6 =	vld [tilespmem:s20+$0x20];
	v10 =	vadd.f32 v10, v7  }
0x33: {  	v19 =	vld [tilespmem:s20+$0xFFFFFFC0];
	v25 =	vmul.f32 v16, v16;
	v15 =	vadd.f32 v20, v15  }
0x34: {  	v37 =	vmul.f32 v14, v14;
	v20 =	vld [tilespmem:s20+$0xFFFFFFD0];
	v13 =	vadd.f32 v21, v13;
	v12 =	vadd.f32 v12, v10  }
0x35: {  	v22 =	vmul.f32 v4, v4;
	v23 =	vmul.f32 v5, v5;
	v7 =	vld [tilespmem:s20+$0x30]  }
0x36: {  	v15 =	vadd.f32 v25, v15;
	v37 =	vadd.f32 v37, v13;
	v13 =	vld [tilespmem:s20+$0x60];
	v24 =	vperm.xlane v12, v0  }
0x37: {  	v25 =	vmul.f32 v17, v17;
	v23 =	vadd.f32 v23, v22;
	v22 =	vld [tilespmem:s20+$0xFFFFFF50];
	v21 =	vmul.f32 v6, v6  }
0x38: {  	v10 =	vld [tilespmem:s20+$0x40];
	v36 =	vadd.f32 v12, v24  }
0x39: {  	v41 =	vmul.f32 v19, v19;
	v15 =	vadd.f32 v25, v15;
	v23 =	vadd.f32 v21, v23;
	v21 =	vld [tilespmem:s20+$0xFFFFFFE0]  }
0x3a: {  	v38 =	vmul.f32 v7, v7;
	v12 =	vld [tilespmem:s20+$0x50];
	v39 =	vperm.xlane v36, v1  }
0x3b: {  	v40 =	vmul.f32 v18, v18;
	v41 =	vadd.f32 v41, v15;
	v24 =	vld [tilespmem:s20+$0xFFFFFF60]  }
0x3c: {  	v42 =	vmul.f32 v20, v20;
	v38 =	vadd.f32 v38, v23;
	v23 =	vld [tilespmem:s20+$0xFFFFFFF0];
	v36 =	vadd.f32 v36, v39  }
0x3d: {  	v25 =	vld [tilespmem:s20+$0xFFFFFF70];
	v37 =	vadd.f32 v40, v37;
	v62 =	vmul.f32 v13, v13;
	v57 =	vmul.f32 v10, v10  }
0x3e: {  	v41 =	vadd.f32 v42, v41;
	v58 =	vmul.f32 v22, v22;
	v43 =	vperm.xlane v36, v2  }
0x3f: {  	v15 =	vld [tilespmem:s20+$0x70];
	v61 =	vmul.f32 v21, v21;
	v38 =	vadd.f32 v57, v38;
	v59 =	vmul.f32 v12, v12  }
0x40: {  	v37 =	vadd.f32 v58, v37;
	v60 =	vmul.f32 v24, v24;
	v36 =	vadd.f32 v36, v43  }
0x41: {  	v41 =	vadd.f32 v61, v41;
	v45 =	vmul.f32 v23, v23;
	v38 =	vadd.f32 v59, v38  }
0x42: {  	v63 =	vmul.f32 v25, v25;
	v37 =	vadd.f32 v60, v37;
	v43 =	vperm.xlane v36, v3  }
0x43: {  	v47 =	vadd.f32 v45, v41;
	v38 =	vadd.f32 v62, v38  }
0x44: {  	v46 =	vmul.f32 v15, v15;
	v37 =	vadd.f32 v63, v37;
	v36 =	vadd.f32 v36, v43  }
0x45: {  	v49 =	vperm.xlane v47, v0  }
0x46: {  	v48 =	vperm.xlane v37, v0;
	v38 =	vadd.f32 v46, v38;
	v36 =	vmax.f32 v36, $1.000000020e-24  }
0x47: {  	v39 =	vadd.f32 v47, v49;
	v50 =	vshra.s32 v36, $0x1;
	v36 =	vmul.f32 $5.000000000e-01, v36  }
0x48: {  	v37 =	vadd.f32 v37, v48;
	v51 =	vperm.xlane v38, v0;
	v42 =	vsub.s32 $0x5F3759DF, v50  }
0x49: {  	v53 =	vperm.xlane v39, v1;
	v36 =	vmul.f32 v42, v36  }
0x4a: {  	v52 =	vperm.xlane v37, v1;
	v38 =	vadd.f32 v38, v51  }
0x4b: {  	v39 =	vadd.f32 v39, v53;
	v36 =	vmul.f32 v42, v36  }
0x4c: {  	v37 =	vadd.f32 v37, v52;
	v54 =	vperm.xlane v38, v1  }
0x4d: {  	v56 =	vperm.xlane v39, v2;
	v36 =	vsub.f32 $1.500000000e+00, v36  }
0x4e: {  	v55 =	vperm.xlane v37, v2;
	v38 =	vadd.f32 v38, v54  }
0x4f: {  	s22 =	sshll.u32 s21, $0x7;
	v39 =	vadd.f32 v39, v56;
	v42 =	vmul.f32 v42, v36  }
0x50: {  	s24 =	sadd.s32 $0x80, s22;
	s25 =	sadd.s32 $0x4, s22;
	v57 =	vadd.f32 v37, v55;
	v58 =	vperm.xlane v38, v2  }
0x51: {  	p0 =	slt.u32 s25, s24;
	v60 =	vperm.xlane v39, v3;
	v35 =	vmul.f32 v42, v35  }
.Ltmp0:
0x52: {  	v59 =	vperm.xlane v57, v3;
	v38 =	vadd.f32 v38, v58;
	v33 =	vmul.f32 v42, v33;
	(pc) =	sbr.rel @!p0 .LBB2_4-.Ltmp0, $4  }
0x53: {  	v34 =	vmul.f32 v42, v34;
	v61 =	vmul.f32 v42, v32;
	[tilespmem:s20+$0xF0] =	vst v35  }
0x54: {  	v62 =	vadd.f32 v57, v59;
	v63 =	vperm.xlane v38, v3;
	v36 =	vmul.f32 v42, v28;
	[tilespmem:s20+$0x80] =	vst v33  }
0x55: {  	v37 =	vadd.f32 v39, v60;
	v30 =	vmul.f32 v42, v30;
	v31 =	vmul.f32 v42, v31;
	[tilespmem:s20+$0x90] =	vst v34  }
0x56: {  	s26 =	sadd.s32 $0x200, s20;
	s23 =	smov.u32 s20;
	v35 =	vmul.f32 v42, v29;
	v29 =	vmax.f32 v62, $1.000000020e-24;
	v32 =	vadd.f32 v38, v63;
	[tilespmem:s20+$0xA0] =	vst v61  }
.LBB2_3:
0x57: {  	v28 =	vld [tilespmem:s26+$0x80];
	v33 =	vshra.s32 v29, $0x1;
	v34 =	vmul.f32 $5.000000000e-01, v29;
	v37 =	vmax.f32 v37, $1.000000020e-24;
	[tilespmem:s23+$0xB0] =	vst v36  }
0x58: {  	s25 =	sadd.s32 $0x4, s25;
	v29 =	vld [tilespmem:s26+$0x90];
	v36 =	vshra.s32 v37, $0x1;
	v37 =	vmul.f32 $5.000000000e-01, v37;
	v32 =	vmax.f32 v32, $1.000000020e-24;
	[tilespmem:s23+$0xC0] =	vst v35  }
0x59: {  	p0 =	slt.u32 s25, s24;
	v35 =	vsub.s32 $0x5F3759DF, v33;
	v39 =	vld [tilespmem:s26+$0xFFFFFF10];
	v33 =	vshra.s32 v32, $0x1;
	v32 =	vmul.f32 $5.000000000e-01, v32;
	[tilespmem:s23+$0xD0] =	vst v30  }
0x5a: {  	v34 =	vmul.f32 v35, v34;
	v36 =	vsub.s32 $0x5F3759DF, v36;
	v30 =	vld [tilespmem:s26+$0xA0];
	v41 =	vsub.s32 $0x5F3759DF, v33;
	[tilespmem:s23+$0xE0] =	vst v31  }
0x5b: {  	v33 =	vmul.f32 v36, v37;
	v43 =	vld [tilespmem:s26+$0xFFFFFF80];
	v38 =	vmul.f32 v41, v32  }
0x5c: {  	v34 =	vmul.f32 v35, v34;
	v31 =	vld [tilespmem:s26+$0xB0]  }
0x5d: {  	v40 =	vmul.f32 v28, v28;
	v44 =	vld [tilespmem:s26+$0xFFFFFF90];
	v42 =	vmul.f32 v29, v29  }
0x5e: {  	v46 =	vmul.f32 v36, v33;
	v34 =	vsub.f32 $1.500000000e+00, v34;
	v45 =	vmul.f32 v39, v39;
	v32 =	vld [tilespmem:s26+$0xC0]  }
0x5f: {  	v47 =	vmul.f32 v41, v38;
	v37 =	vld [tilespmem:s26+$0x0];
	v40 =	vadd.f32 v42, v40;
	v42 =	vmul.f32 v30, v30  }
0x60: {  	v49 =	vmul.f32 v35, v34;
	v35 =	vsub.f32 $1.500000000e+00, v46;
	v48 =	vmul.f32 v43, v43;
	v33 =	vld [tilespmem:s26+$0xD0]  }
0x61: {  	v47 =	vsub.f32 $1.500000000e+00, v47;
	v38 =	vld [tilespmem:s26+$0x10];
	v42 =	vadd.f32 v42, v40;
	v46 =	vmul.f32 v31, v31  }
0x62: {  	v40 =	vmul.f32 v36, v35;
	v50 =	vmul.f32 v44, v44;
	v34 =	vld [tilespmem:s26+$0xE0]  }
0x63: {  	v35 =	vmul.f32 v41, v47;
	v51 =	vld [tilespmem:s26+$0xFFFFFF00];
	v42 =	vadd.f32 v46, v42;
	v46 =	vmul.f32 v32, v32  }
0x64: {  	v26 =	vmul.f32 v49, v26;
	v47 =	vadd.f32 v50, v48;
	v41 =	vmul.f32 v37, v37;
	v36 =	vld [tilespmem:s26+$0xF0]  }
0x65: {  	v50 =	vmul.f32 v49, v11;
	v11 =	vmovc v39;
	v48 =	vld [tilespmem:s26+$0xFFFFFF20];
	v42 =	vadd.f32 v46, v42;
	v46 =	vmul.f32 v33, v33  }
0x66: {  	v52 =	vld [tilespmem:s26+$0xFFFFFFA0];
	v53 =	vmul.f32 v38, v38;
	[tilespmem:s23+$0xFFFFFF00] =	vst v26;
	v26 =	vmul.f32 v49, v27  }
0x67: {  	v39 =	vld [tilespmem:s26+$0x20];
	v27 =	vadd.f32 v46, v42;
	v42 =	vmul.f32 v34, v34;
	[tilespmem:s23+$0xFFFFFF10] =	vst v50;
	v46 =	vmul.f32 v49, v14  }
0x68: {  	v18 =	vmul.f32 v49, v18;
	v14 =	vld [tilespmem:s26+$0xFFFFFF30];
	v50 =	vmul.f32 v51, v51;
	v53 =	vadd.f32 v53, v41;
	[tilespmem:s23+$0xFFFFFF20] =	vst v26  }
0x69: {  	v22 =	vmul.f32 v49, v22;
	v54 =	vld [tilespmem:s26+$0xFFFFFFB0];
	v26 =	vadd.f32 v42, v27;
	v27 =	vmul.f32 v36, v36;
	[tilespmem:s23+$0xFFFFFF30] =	vst v46  }
0x6a: {  	v24 =	vmul.f32 v49, v24;
	v42 =	vadd.f32 v45, v50;
	v45 =	vmul.f32 v48, v48;
	v41 =	vld [tilespmem:s26+$0x30];
	[tilespmem:s23+$0xFFFFFF40] =	vst v18  }
0x6b: {  	v18 =	vld [tilespmem:s26+$0xFFFFFF40];
	v46 =	vmul.f32 v52, v52;
	v26 =	vadd.f32 v27, v26;
	[tilespmem:s23+$0xFFFFFF50] =	vst v22;
	v22 =	vmul.f32 v49, v25  }
0x6c: {  	v55 =	vmul.f32 v40, v8;
	v25 =	vadd.f32 v45, v42;
	v45 =	vld [tilespmem:s26+$0xFFFFFFC0];
	v27 =	vmul.f32 v39, v39;
	[tilespmem:s23+$0xFFFFFF60] =	vst v24  }
0x6d: {  	v24 =	vmul.f32 v14, v14;
	v46 =	vadd.f32 v46, v47;
	v42 =	vld [tilespmem:s26+$0x40];
	v47 =	vperm.xlane v26, v0;
	[tilespmem:s23+$0xFFFFFF70] =	vst v22  }
0x6e: {  	v22 =	vld [tilespmem:s26+$0xFFFFFF50];
	v49 =	vmul.f32 v54, v54;
	v27 =	vadd.f32 v27, v53;
	[tilespmem:s23+$0xFFFFFF80] =	vst v55;
	v55 =	vmul.f32 v40, v9  }
0x6f: {  	v8 =	vmovc v43;
	v25 =	vadd.f32 v24, v25;
	v50 =	vld [tilespmem:s26+$0xFFFFFFD0];
	v53 =	vmul.f32 v41, v41;
	v26 =	vadd.f32 v26, v47  }
0x70: {  	v16 =	vmul.f32 v40, v16;
	v43 =	vmul.f32 v18, v18;
	v46 =	vadd.f32 v49, v46;
	v47 =	vld [tilespmem:s26+$0x50];
	[tilespmem:s23+$0xFFFFFF90] =	vst v55  }
0x71: {  	v9 =	vmovc v44;
	v24 =	vld [tilespmem:s26+$0xFFFFFF60];
	v49 =	vmul.f32 v45, v45;
	v27 =	vadd.f32 v53, v27;
	v53 =	vperm.xlane v26, v1  }
0x72: {  	v43 =	vadd.f32 v43, v25;
	v44 =	vld [tilespmem:s26+$0xFFFFFFE0];
	v55 =	vmul.f32 v42, v42;
	[tilespmem:s23+$0xFFFFFFA0] =	vst v16;
	v16 =	vmul.f32 v40, v17  }
0x73: {  	v17 =	vmul.f32 v22, v22;
	v46 =	vadd.f32 v49, v46;
	v49 =	vld [tilespmem:s26+$0x60];
	v53 =	vadd.f32 v26, v53;
	v26 =	vmovc v51  }
0x74: {  	v58 =	vmul.f32 v40, v19;
	v25 =	vld [tilespmem:s26+$0xFFFFFF70];
	v51 =	vmul.f32 v50, v50;
	v55 =	vadd.f32 v55, v27;
	[tilespmem:s23+$0xFFFFFFB0] =	vst v16  }
0x75: {  	v17 =	vadd.f32 v17, v43;
	v43 =	vld [tilespmem:s26+$0xFFFFFFF0];
	v19 =	vmul.f32 v47, v47;
	v56 =	vperm.xlane v53, v2;
	v27 =	vmovc v48  }
0x76: {  	v20 =	vmul.f32 v40, v20;
	v48 =	vmul.f32 v24, v24;
	v46 =	vadd.f32 v51, v46;
	v51 =	vld [tilespmem:s26+$0x70];
	[tilespmem:s23+$0xFFFFFFC0] =	vst v58  }
0x77: {  	v16 =	vmovc v52;
	v57 =	vmul.f32 v44, v44;
	v19 =	vadd.f32 v19, v55;
	v53 =	vadd.f32 v53, v56  }
0x78: {  	v48 =	vadd.f32 v48, v17;
	v52 =	vmul.f32 v49, v49;
	[tilespmem:s23+$0xFFFFFFD0] =	vst v20;
	v20 =	vmul.f32 v40, v21  }
0x79: {  	v21 =	vmul.f32 v25, v25;
	v46 =	vadd.f32 v57, v46;
	v55 =	vperm.xlane v53, v3;
	v17 =	vmovc v54  }
0x7a: {  	v54 =	vmul.f32 v43, v43;
	v52 =	vadd.f32 v52, v19;
	[tilespmem:s23+$0xFFFFFFE0] =	vst v20;
	v20 =	vmul.f32 v40, v23  }
0x7b: {  	v23 =	vadd.f32 v21, v48;
	v56 =	vmul.f32 v51, v51;
	v40 =	vadd.f32 v53, v55;
	v19 =	vmovc v45  }
0x7c: {  	v53 =	vmul.f32 v35, v4;
	v45 =	vadd.f32 v54, v46;
	[tilespmem:s23+$0xFFFFFFF0] =	vst v20;
	v46 =	vmul.f32 v35, v5  }
0x7d: {  	v4 =	vmovc v37;
	v5 =	vmovc v38;
	v48 =	vperm.xlane v23, v0;
	v52 =	vadd.f32 v56, v52;
	v54 =	vmax.f32 v40, $1.000000020e-24  }
0x7e: {  	v21 =	vmovc v44;
	v37 =	vperm.xlane v45, v0;
	v38 =	vshra.s32 v54, $0x1;
	v40 =	vmul.f32 $5.000000000e-01, v54;
	[tilespmem:s23+$0x0] =	vst v53;
	v20 =	vmovc v50  }
0x7f: {  	v44 =	vadd.f32 v23, v48;
	v48 =	vperm.xlane v52, v0;
	v38 =	vsub.s32 $0x5F3759DF, v38;
	[tilespmem:s23+$0x10] =	vst v46;
	v23 =	vmovc v43  }
0x80: {  	v43 =	vmul.f32 v35, v6;
	v6 =	vmovc v39;
	v37 =	vadd.f32 v45, v37;
	v40 =	vmul.f32 v38, v40  }
0x81: {  	v46 =	vmul.f32 v35, v7;
	v7 =	vmovc v41;
	v39 =	vperm.xlane v44, v1;
	v45 =	vadd.f32 v52, v48  }
0x82: {  	v41 =	vperm.xlane v37, v1;
	v40 =	vmul.f32 v38, v40;
	[tilespmem:s23+$0x20] =	vst v43  }
0x83: {  	v39 =	vadd.f32 v44, v39;
	v43 =	vperm.xlane v45, v1;
	[tilespmem:s23+$0x30] =	vst v46;
	v44 =	vmul.f32 v35, v10  }
0x84: {  	v10 =	vmovc v42;
	v37 =	vadd.f32 v37, v41;
	v40 =	vsub.f32 $1.500000000e+00, v40;
	v41 =	vmul.f32 v35, v12;
	v12 =	vmovc v47  }
0x85: {  	v42 =	vperm.xlane v39, v2;
	v43 =	vadd.f32 v45, v43;
	[tilespmem:s23+$0x40] =	vst v44;
	v44 =	vmul.f32 v35, v13  }
0x86: {  	v13 =	vmov v49;
	v45 =	vperm.xlane v37, v2;
	v38 =	vmul.f32 v38, v40;
	[tilespmem:s23+$0x50] =	vst v41  }
0x87: {  	v35 =	vmul.f32 v35, v15;
	v39 =	vadd.f32 v39, v42;
	v40 =	vperm.xlane v43, v2;
	[tilespmem:s23+$0x60] =	vst v44  }
0x88: {  	v15 =	vmovc v51;
	v37 =	vadd.f32 v37, v45;
	v28 =	vmul.f32 v38, v28;
	v36 =	vmul.f32 v38, v36  }
.Ltmp1:
0x89: {  	v29 =	vmul.f32 v38, v29;
	v41 =	vperm.xlane v39, v3;
	v40 =	vadd.f32 v43, v40;
	[tilespmem:s23+$0x70] =	vst v35;
	s23 =	smov.u32 s26;
	(pc) =	sbr.rel @p0 .LBB2_3-.Ltmp1, $4  }
0x8a: {  	v42 =	vmul.f32 v38, v30;
	v35 =	vperm.xlane v37, v3;
	[tilespmem:s26+$0xF0] =	vst v36  }
0x8b: {  	v36 =	vmul.f32 v38, v31;
	v39 =	vadd.f32 v39, v41;
	v41 =	vperm.xlane v40, v3;
	[tilespmem:s26+$0x80] =	vst v28  }
0x8c: {  	v30 =	vmul.f32 v38, v33;
	v37 =	vadd.f32 v37, v35;
	[tilespmem:s26+$0x90] =	vst v29;
	v35 =	vmul.f32 v38, v32  }
0x8d: {  	v31 =	vmul.f32 v38, v34;
	s26 =	sadd.s32 $0x200, s26;
	v29 =	vmax.f32 v39, $1.000000020e-24;
	v32 =	vadd.f32 v40, v41;
	[tilespmem:s23+$0xA0] =	vst v42  }
.LBB2_4:
0x8e: {  	v28 =	vshra.s32 v29, $0x1;
	v44 =	vmul.f32 $5.000000000e-01, v29  }
0x8f: {  	v28 =	vsub.s32 $0x5F3759DF, v28  }
0x90: {  	v29 =	vmul.f32 v28, v44;
	_ =	sdelay $0x1  }
0x91: {  	v29 =	vmul.f32 v28, v29;
	_ =	sdelay $0x1  }
0x92: {  	v29 =	vsub.f32 $1.500000000e+00, v29  }
0x93: {  	v33 =	vmax.f32 v37, $1.000000020e-24  }
0x94: {  	[tilespmem:s23+$0xB0] =	vst v36;
	v34 =	vshra.s32 v33, $0x1;
	v33 =	vmul.f32 $5.000000000e-01, v33;
	v28 =	vmul.f32 v28, v29  }
0x95: {  	[tilespmem:s23+$0xD0] =	vst v30;
	v45 =	vsub.s32 $0x5F3759DF, v34  }
0x96: {  	[tilespmem:s23+$0xC0] =	vst v35;
	v46 =	vmul.f32 v45, v33;
	v26 =	vmul.f32 v28, v26  }
0x97: {  	[tilespmem:s23+$0xE0] =	vst v31;
	v11 =	vmul.f32 v28, v11  }
0x98: {  	v30 =	vmul.f32 v45, v46;
	v47 =	vmul.f32 v28, v27;
	[tilespmem:s23+$0xFFFFFF00] =	vst v26  }
0x99: {  	v48 =	vmul.f32 v28, v14;
	[tilespmem:s23+$0xFFFFFF10] =	vst v11  }
0x9a: {  	v49 =	vmax.f32 v32, $1.000000020e-24;
	v50 =	vsub.f32 $1.500000000e+00, v30;
	v18 =	vmul.f32 v28, v18;
	[tilespmem:s23+$0xFFFFFF20] =	vst v47  }
0x9b: {  	v51 =	vmul.f32 $5.000000000e-01, v49;
	v52 =	vmul.f32 v28, v22;
	[tilespmem:s23+$0xFFFFFF30] =	vst v48  }
0x9c: {  	v53 =	vmul.f32 v45, v50;
	v14 =	vshra.s32 v49, $0x1;
	v54 =	vmul.f32 v28, v24;
	[tilespmem:s23+$0xFFFFFF40] =	vst v18  }
0x9d: {  	v55 =	vmul.f32 v28, v25;
	v14 =	vsub.s32 $0x5F3759DF, v14;
	[tilespmem:s23+$0xFFFFFF50] =	vst v52  }
0x9e: {  	v8 =	vmul.f32 v53, v8;
	v56 =	vmul.f32 v14, v51;
	[tilespmem:s23+$0xFFFFFF60] =	vst v54  }
0x9f: {  	v9 =	vmul.f32 v53, v9;
	[tilespmem:s23+$0xFFFFFF70] =	vst v55  }
0xa0: {  	v58 =	vmul.f32 v53, v16;
	[tilespmem:s23+$0xFFFFFF80] =	vst v8;
	v57 =	vmul.f32 v14, v56  }
0xa1: {  	v59 =	vmul.f32 v53, v17;
	[tilespmem:s23+$0xFFFFFF90] =	vst v9  }
0xa2: {  	v60 =	vmul.f32 v53, v19;
	[tilespmem:s23+$0xFFFFFFA0] =	vst v58;
	v11 =	vsub.f32 $1.500000000e+00, v57  }
0xa3: {  	v61 =	vmul.f32 v53, v20;
	[tilespmem:s23+$0xFFFFFFB0] =	vst v59  }
0xa4: {  	v62 =	vmul.f32 v53, v21;
	[tilespmem:s23+$0xFFFFFFC0] =	vst v60;
	v11 =	vmul.f32 v14, v11  }
0xa5: {  	v63 =	vmul.f32 v53, v23;
	[tilespmem:s23+$0xFFFFFFD0] =	vst v61  }
0xa6: {  	[tilespmem:s23+$0xFFFFFFE0] =	vst v62;
	v4 =	vmul.f32 v11, v4  }
0xa7: {  	[tilespmem:s23+$0xFFFFFFF0] =	vst v63;
	v5 =	vmul.f32 v11, v5  }
0xa8: {  	[tilespmem:s23+$0x0] =	vst v4;
	v4 =	vmul.f32 v11, v6  }
0xa9: {  	[tilespmem:s23+$0x10] =	vst v5;
	v5 =	vmul.f32 v11, v7  }
0xaa: {  	s24 =	sshll.u32 s21, $0xE;
	s21 =	sadd.s32 $0x1, s21;
	[tilespmem:s23+$0x20] =	vst v4;
	v4 =	vmul.f32 v11, v10  }
0xab: {  	p0 =	sne.s32 s21, $0x4;
	[tilespmem:s23+$0x30] =	vst v5;
	v5 =	vmul.f32 v11, v12  }
.Ltmp2:
0xac: {  	[tilespmem:s23+$0x40] =	vst v4;
	v4 =	vmul.f32 v11, v13;
	(pc) =	sbr.rel @p0 .LBB2_2-.Ltmp2, $4  }
0xad: {  	s22 =	sadd.s32 s4, s22;
	[tilespmem:s23+$0x50] =	vst v5;
	v5 =	vmul.f32 v11, v15  }
0xae: {  	s24 =	sand.u32 $0x3FFFC000, s24;
	s22 =	sshll.u32 s22, $0x4;
	[tilespmem:s23+$0x60] =	vst v4  }
0xaf: {  	s20 =	sadd.s32 $0x4000, s20;
	s31 =	sor.u32 $0x200, s24;
	s22 =	sadd.s32 s3, s22;
	[tilespmem:s23+$0x70] =	vst v5  }
0xb0: {  	[hbm4b:s22+s5] =	stream.linear.scatter [tilespmem:s31], [sflag:$0x2], $0x4000, $0x38;
	[tilespmem:$0x10200] =	vst v63  }
0xb1: {  	s19 =	sadd.s32 $0x1, s19  }
0xb2: {  	p0 =	sne.s32 s19, s8  }
.Ltmp3:
0xb3: {  	_ = 	snop;
	(pc) =	sbr.rel @p0 .LBB2_1-.Ltmp3, $4  }
0xb4: {  	_ = 	snop  }
0xb5: {  	_ =	swait.ge [sflag:s18], $0x10000  }
0xb6: {  	[sflag:s18] =	ssyncset.done $0x0  }
0xb7: {  	[sflag:s18] =	ssyncadd.s32 $0xFFFF0000  }
0xb8: {  	_ =	sfence.sel $0x180000  }
0xb9: {  	[bflag:$0x0] =	sbarrier.arrive $0xFFFF  }
0xba: {  	p0 =	sne.s32 s0, $0x0;
	_ =	strace $0x90000047  }
0xbb: {  	s0 =	sadd.s32 @!p0 $0x100000, s2;
	[bflag:$0x2] =	sbarrier.arrive $0xFFFF  }
0xbc: {  	[sflag:s0] =	ssyncadd.tile.s32 @!p0 $0x1;
	_ =	shalt  }
.Lfunc_end2:
_tile_overlayer_lowered:
.L_overlay_start_2:
0xbd: {  	(tag) =	ssettag $0x2  }
0xbe: {  	s0 =	rddreg [dreg:$0x0];
	s2 =	stileid.u32  }
0xbf: {  	s1 =	rddreg [dreg:$0x1];
	p0 =	sne.s32 s2, $0x0  }
0xc0: {  	s3 =	rddreg [dreg:$0x2];
	[bflag:$0x3] =	sbarrier.arrive $0xFFFF;
	s2 =	simm.s32 @!p0 $0x1C03  }
0xc1: {  	[timem:s3], [sflag:s2] =	dma.local @!p0 [hbm:s0], s1  }
0xc2: {  	s0 =	simm.s32 @!p0 $0x3  }
0xc3: {  	_ =	swait.ge @!p0 [sflag:s0], s1  }
0xc4: {  	s1 =	ssub.s32 @!p0 $0x0, s1;
	[sflag:s0] =	ssyncset.done @!p0 $0x0  }
0xc5: {  	[sflag:s0] =	ssyncadd.s32 @!p0 s1  }
0xc6: {  	[bflag:$0x3] =	sbarrier.arrive $0xFFFF  }
0xc7: {  	_ =	shalt  }

</sc_bundles>
